<compile_context>
chip_gen: v7x
topology: tpu7x:2x2x1
jax: 0.10.2.dev20260603
libtpu: 0.0.44.dev20260713+nightly
codegen_flags: <defaults>
</compile_context>

<pallas_src>
import functools

import jax
import jax.numpy as jnp
from jax import lax
from jax.experimental import pallas as pl
from jax.experimental.pallas import tpu as pltpu
from jax.experimental.pallas import tpu_sc as plsc

_VOCAB = 100000
_D = 64
_VPAD = 102400
_G1 = 4
_RB = _VPAD // _G1
_OB = _RB // 128


def _rowmax_body(t_ref, o_ref):
    m = jnp.max(t_ref[...], axis=1)
    o_ref[...] = m.reshape(o_ref.shape)


def _row_max(table):
    out = pl.pallas_call(
        _rowmax_body,
        grid=(_G1,),
        in_specs=[pl.BlockSpec((_RB, _D), lambda i: (i, 0))],
        out_specs=pl.BlockSpec((_OB, 128), lambda i: (i, 0)),
        out_shape=jax.ShapeDtypeStruct((_VPAD // 128, 128), jnp.float32),
    )(table)
    return out.reshape(_VPAD)


_VPAD_SC = 100352
_PW = _VPAD_SC // 32
_CH = 112
_NCH = _PW // _CH
_NG = _CH // 16


@functools.cache
def _rowmax_sc_kernel():
    info = plsc.get_sparse_core_info()
    nc, ns = info.num_cores, info.num_subcores
    nw = nc * ns
    assert nw * _PW == _VPAD_SC

    @functools.partial(
        pl.kernel,
        out_type=jax.ShapeDtypeStruct((_VPAD_SC,), jnp.float32),
        mesh=plsc.VectorSubcoreMesh(core_axis_name="c", subcore_axis_name="s"),
        compiler_params=pltpu.CompilerParams(needs_layout_passes=False),
        scratch_types=[
            pltpu.VMEM((_CH, _D), jnp.float32),
            pltpu.VMEM((_CH, _D), jnp.float32),
            pltpu.VMEM((_PW,), jnp.float32),
            pltpu.SemaphoreType.DMA,
            pltpu.SemaphoreType.DMA,
        ],
    )
    def rowmax(t_hbm, out_hbm, buf0, buf1, rm_v, sem0, sem1):
        wid = lax.axis_index("s") * nc + lax.axis_index("c")
        r0 = jnp.minimum(wid * _PW, _VOCAB - _PW)
        bufs = (buf0, buf1)
        sems = (sem0, sem1)

        def start_copy(q, b):
            pltpu.async_copy(
                t_hbm.at[pl.ds(r0 + q * _CH, _CH), :], bufs[b], sems[b]
            )

        iota = lax.iota(jnp.int32, 16)
        cols = [(iota + d) & (_D - 1) for d in range(_D)]

        def reduce_chunk(q, b):
            buf = bufs[b]

            def body(g, carry):
                rows = g * 16 + iota
                vals = [plsc.load_gather(buf, [rows, cols[d]]) for d in range(_D)]
                while len(vals) > 1:
                    vals = [
                        jnp.maximum(vals[i], vals[i + 1])
                        for i in range(0, len(vals) - 1, 2)
                    ] + ([vals[-1]] if len(vals) % 2 else [])
                rm_v[pl.ds(q * _CH + g * 16, 16)] = vals[0]
                return carry

            lax.fori_loop(0, _NG, body, 0)

        start_copy(0, 0)
        start_copy(1, 1)

        def step(t, carry):
            for b in range(2):
                k = 2 * t + b
                pltpu.make_async_copy(
                    t_hbm.at[pl.ds(r0, _CH), :], bufs[b], sems[b]
                ).wait()
                reduce_chunk(k, b)

                @pl.when(k + 2 < _NCH)
                def _():
                    start_copy(k + 2, b)
            return carry

        lax.fori_loop(0, _NCH // 2, step, 0)
        pltpu.sync_copy(rm_v, out_hbm.at[pl.ds(r0, _PW)])

    return rowmax


@functools.cache
def _gather_kernel(n_idx):
    info = plsc.get_sparse_core_info()
    nc, ns = info.num_cores, info.num_subcores
    nw = nc * ns
    per_w = n_idx // nw
    assert n_idx % (nw * 16) == 0

    b2, hist = 8192, 50
    rows_w = b2 // nw
    rows_c = 64
    n_ch = rows_w // rows_c
    ng = rows_c * hist // 16

    @functools.partial(
        pl.kernel,
        out_type=jax.ShapeDtypeStruct((b2, hist), jnp.float32),
        mesh=plsc.VectorSubcoreMesh(core_axis_name="c", subcore_axis_name="s"),
        compiler_params=pltpu.CompilerParams(needs_layout_passes=False),
        scratch_types=[
            pltpu.VMEM((_VPAD,), jnp.float32),
            pltpu.VMEM((rows_c, hist), jnp.int32),
            pltpu.VMEM((rows_c, hist), jnp.float32),
            pltpu.SemaphoreType.DMA,
        ],
    )
    def gather(xl_hbm, xr_hbm, rm_hbm, out_hbm, rm_v, xbuf, obuf, sem):
        wid = lax.axis_index("s") * nc + lax.axis_index("c")
        half = nw // 2
        rm_copy = pltpu.async_copy(rm_hbm, rm_v, sem)
        rm_copy.wait()

        iota = lax.iota(jnp.int32, 16)

        def chunk(c, carry):
            row0 = wid * rows_w + c * rows_c

            @pl.when(wid < half)
            def _():
                pltpu.sync_copy(xl_hbm.at[pl.ds(row0, rows_c), :], xbuf)

            @pl.when(wid >= half)
            def _():
                pltpu.sync_copy(
                    xr_hbm.at[pl.ds(row0 - b2 // 2, rows_c), :], xbuf
                )

            unroll = 4

            def body(i, rc):
                rows, cols = rc
                coords = []
                for _ in range(unroll):
                    coords.append((rows, cols))
                    cols2 = cols + 16
                    m = cols2 >= hist
                    rows = rows + m.astype(jnp.int32)
                    cols = jnp.where(m, cols2 - hist, cols2)
                idss = [plsc.load_gather(xbuf, [r, cl]) for r, cl in coords]
                valss = [plsc.load_gather(rm_v, [ids]) for ids in idss]
                for (r, cl), vals in zip(coords, valss):
                    plsc.store_scatter(obuf, [r, cl], vals)
                return (rows, cols)

            lax.fori_loop(
                0, ng // unroll, body, (jnp.zeros((16,), jnp.int32), iota)
            )
            pltpu.sync_copy(obuf, out_hbm.at[pl.ds(row0, rows_c), :])
            return carry

        lax.fori_loop(0, n_ch, chunk, 0)

    return gather


def kernel(x_l, x_r, labels, table):
    rowmax = _row_max(table)
    features = _gather_kernel(2 * x_l.shape[0] * x_l.shape[1])(x_l, x_r, rowmax)
    return (features, labels)

# --- scband reference (transcript-rebuilt; emitter-appended) ---
"""Pipeline reference for scband-svm-features-6425271075507 (READ-ONLY COPY).

The authoritative reference and input builder live on the scoring server;
editing this copy changes nothing except your own understanding.
"""

import jax, jax.numpy as jnp
import numpy as np

VOCAB = 100000
EMBED_DIM = 64
BATCH = 4096
HIST = 50

def setup_inputs(seed: int = 0) -> dict:
    key = jax.random.key(seed)
    k1, k2, k3, k4 = jax.random.split(key, 4)
    x_l = jax.random.randint(k1, (BATCH, HIST), 0, VOCAB, dtype=jnp.int64 if jax.config.jax_enable_x64 else jnp.int32)
    x_r = jax.random.randint(k2, (BATCH, HIST), 0, VOCAB, dtype=jnp.int64 if jax.config.jax_enable_x64 else jnp.int32)
    labels = jax.random.randint(k3, (BATCH,), 0, 2, dtype=jnp.int64 if jax.config.jax_enable_x64 else jnp.int32)
    table = jax.random.normal(k4, (VOCAB, EMBED_DIM), dtype=jnp.float32)
    return {"x_l": x_l, "x_r": x_r, "labels": labels, "table": table}

def reference(x_l, x_r, labels, table):
    # lengths computed (as in original forward) but unused downstream
    x_l_len = jnp.sum(x_l != 0, axis=-1)
    x_r_len = jnp.sum(x_r != 0, axis=-1)
    # embedding gather: [B, L] -> [B, L, D]
    emb_l = jnp.take(table, x_l, axis=0)
    emb_r = jnp.take(table, x_r, axis=0)
    # torch.max(x, dim=-1) -> max values over embedding dim: [B, L]
    feat_l = jnp.max(emb_l, axis=-1)
    feat_r = jnp.max(emb_r, axis=-1)
    features = jnp.concatenate([feat_l, feat_r], axis=0)  # [2B, L]
    return (features, labels)

if __name__ == "__main__":
    import jax
    _d = setup_inputs()
    print(jax.jit(kernel)(*tuple(_d.values())))

</pallas_src>

<mosaic_0001>
#map = affine_map<(d0, d1) -> (0, 0)>
#map1 = affine_map<(d0, d1) -> (0)>
module attributes {stable_mosaic.version = 14 : i64} {
  func.func @gather(%arg0: i32, %arg1: i32, %arg2: memref<4096x50xi32, #tpu.memory_space<hbm>>, %arg3: memref<4096x50xi32, #tpu.memory_space<hbm>>, %arg4: memref<102400xf32, #tpu.memory_space<hbm>>, %arg5: memref<8192x50xf32, #tpu.memory_space<hbm>>, %arg6: memref<102400xf32, #tpu.memory_space<vmem>>, %arg7: memref<64x50xi32, #tpu.memory_space<vmem>>, %arg8: memref<64x50xf32, #tpu.memory_space<vmem>>, %arg9: memref<!tpu.dma_semaphore, #tpu.memory_space<semaphore_mem>>) attributes {dimension_semantics = [#tpu.dimension_semantics<core_parallel>, #tpu.dimension_semantics<subcore_parallel>], iteration_bounds = array<i64: 2, 16>, scalar_prefetch = 0 : i64, scratch_operands = 4 : i64, tpu.core_type = #tpu.core_type<sc_vector_subcore>, window_params = [{transform_indices = #map}, {transform_indices = #map}, {transform_indices = #map1}, {transform_indices = #map}]} {
    %mul3A = arith.constant 2 : i32
    %mul3A_0 = arith.muli %arg1, %mul3A : i32
    %add3A = arith.addi %mul3A_0, %arg0 : i32
    tpu.enqueue_dma source(%arg4 : memref<102400xf32, #tpu.memory_space<hbm>>) target(%arg6 : memref<102400xf32, #tpu.memory_space<vmem>>) target_semaphore(%arg9 : memref<!tpu.dma_semaphore, #tpu.memory_space<semaphore_mem>>)
    tpu.wait_dma2 semaphore(%arg9 : memref<!tpu.dma_semaphore, #tpu.memory_space<semaphore_mem>>) src(%arg4 : memref<102400xf32, #tpu.memory_space<hbm>>) dst(%arg6 : memref<102400xf32, #tpu.memory_space<vmem>>)
    %iota3A = tpu.iota {dimensions = array<i32: 0>} : vector<16xi32>
    %scan3A = arith.constant 0 : i32
    %scan3A_1 = arith.constant 0 : i32
    %scan3A_2 = arith.constant 4 : i32
    %scan3A_3 = arith.addi %scan3A_1, %scan3A_2 : i32
    %scan3A_4 = arith.constant 1 : i32
    scf.for %scan3A_6 = %scan3A_1 to %scan3A_3 step %scan3A_4  : i32 {
      %mul3A_7 = arith.constant 256 : i32
      %mul3A_8 = arith.muli %add3A, %mul3A_7 : i32
      %mul3A_9 = arith.constant 64 : i32
      %mul3A_10 = arith.muli %scan3A_6, %mul3A_9 : i32
      %add3A_11 = arith.addi %mul3A_8, %mul3A_10 : i32
      %lt3A = arith.constant 16 : i32
      %lt3A_12 = arith.cmpi slt, %add3A, %lt3A : i32
      %convert_element_type3A = arith.extui %lt3A_12 : i1 to i32
      %cond3A = arith.constant 0 : i32
      %cond3A_13 = arith.cmpi ne, %convert_element_type3A, %cond3A : i32
      scf.if %cond3A_13 {
        "tpu.region"() ({
          %run_scoped3A = tpu.sem_alloc : memref<!tpu.dma_semaphore, #tpu.memory_space<semaphore_mem>>
          %dma_start3A = arith.constant 0 : i32
          %dma_start3A_25 = tpu.memref_slice %arg2[%add3A_11, %dma_start3A] : memref<4096x50xi32, #tpu.memory_space<hbm>> -> memref<64x50xi32, #tpu.memory_space<hbm>>
          %dma_start3A_26 = arith.constant 0 : i32
          %dma_start3A_27 = tpu.memref_slice %arg2[%add3A_11, %dma_start3A_26] : memref<4096x50xi32, #tpu.memory_space<hbm>> -> memref<64x50xi32, #tpu.memory_space<hbm>>
          tpu.enqueue_dma source(%dma_start3A_27 : memref<64x50xi32, #tpu.memory_space<hbm>>) target(%arg7 : memref<64x50xi32, #tpu.memory_space<vmem>>) target_semaphore(%run_scoped3A : memref<!tpu.dma_semaphore, #tpu.memory_space<semaphore_mem>>)
          %dma_wait3A = arith.constant 0 : i32
          %dma_wait3A_28 = tpu.memref_slice %arg2[%add3A_11, %dma_wait3A] : memref<4096x50xi32, #tpu.memory_space<hbm>> -> memref<64x50xi32, #tpu.memory_space<hbm>>
          %dma_wait3A_29 = arith.constant 0 : i32
          %dma_wait3A_30 = tpu.memref_slice %arg2[%add3A_11, %dma_wait3A_29] : memref<4096x50xi32, #tpu.memory_space<hbm>> -> memref<64x50xi32, #tpu.memory_space<hbm>>
          tpu.wait_dma2 semaphore(%run_scoped3A : memref<!tpu.dma_semaphore, #tpu.memory_space<semaphore_mem>>) src(%dma_wait3A_30 : memref<64x50xi32, #tpu.memory_space<hbm>>) dst(%arg7 : memref<64x50xi32, #tpu.memory_space<vmem>>)
          tpu.yield
        }) : () -> ()
      } else {
      }
      %ge3A = arith.constant 16 : i32
      %ge3A_14 = arith.cmpi sge, %add3A, %ge3A : i32
      %convert_element_type3A_15 = arith.extui %ge3A_14 : i1 to i32
      %cond3A_16 = arith.constant 0 : i32
      %cond3A_17 = arith.cmpi ne, %convert_element_type3A_15, %cond3A_16 : i32
      scf.if %cond3A_17 {
        %sub3A = arith.constant 4096 : i32
        %sub3A_25 = arith.subi %add3A_11, %sub3A : i32
        "tpu.region"() ({
          %run_scoped3A = tpu.sem_alloc : memref<!tpu.dma_semaphore, #tpu.memory_space<semaphore_mem>>
          %dma_start3A = arith.constant 0 : i32
          %dma_start3A_26 = tpu.memref_slice %arg3[%sub3A_25, %dma_start3A] : memref<4096x50xi32, #tpu.memory_space<hbm>> -> memref<64x50xi32, #tpu.memory_space<hbm>>
          %dma_start3A_27 = arith.constant 0 : i32
          %dma_start3A_28 = tpu.memref_slice %arg3[%sub3A_25, %dma_start3A_27] : memref<4096x50xi32, #tpu.memory_space<hbm>> -> memref<64x50xi32, #tpu.memory_space<hbm>>
          tpu.enqueue_dma source(%dma_start3A_28 : memref<64x50xi32, #tpu.memory_space<hbm>>) target(%arg7 : memref<64x50xi32, #tpu.memory_space<vmem>>) target_semaphore(%run_scoped3A : memref<!tpu.dma_semaphore, #tpu.memory_space<semaphore_mem>>)
          %dma_wait3A = arith.constant 0 : i32
          %dma_wait3A_29 = tpu.memref_slice %arg3[%sub3A_25, %dma_wait3A] : memref<4096x50xi32, #tpu.memory_space<hbm>> -> memref<64x50xi32, #tpu.memory_space<hbm>>
          %dma_wait3A_30 = arith.constant 0 : i32
          %dma_wait3A_31 = tpu.memref_slice %arg3[%sub3A_25, %dma_wait3A_30] : memref<4096x50xi32, #tpu.memory_space<hbm>> -> memref<64x50xi32, #tpu.memory_space<hbm>>
          tpu.wait_dma2 semaphore(%run_scoped3A : memref<!tpu.dma_semaphore, #tpu.memory_space<semaphore_mem>>) src(%dma_wait3A_31 : memref<64x50xi32, #tpu.memory_space<hbm>>) dst(%arg7 : memref<64x50xi32, #tpu.memory_space<vmem>>)
          tpu.yield
        }) : () -> ()
      } else {
      }
      %broadcast_in_dim3A = arith.constant 0 : i32
      %broadcast_in_dim3A_18 = vector.broadcast %broadcast_in_dim3A : i32 to vector<16xi32>
      %scan3A_19 = arith.constant 0 : i32
      %scan3A_20 = arith.constant 50 : i32
      %scan3A_21 = arith.addi %scan3A_19, %scan3A_20 : i32
      %scan3A_22 = arith.constant 1 : i32
      %scan3A_23:2 = scf.for %scan3A_25 = %scan3A_19 to %scan3A_21 step %scan3A_22 iter_args(%scan3A_26 = %broadcast_in_dim3A_18, %scan3A_27 = %iota3A) -> (vector<16xi32>, vector<16xi32>)  : i32 {
        %add3A_28 = arith.constant 16 : i32
        %add3A_29 = vector.broadcast %add3A_28 : i32 to vector<16xi32>
        %add3A_30 = arith.addi %scan3A_27, %add3A_29 : vector<16xi32>
        %ge3A_31 = arith.constant 50 : i32
        %ge3A_32 = vector.broadcast %ge3A_31 : i32 to vector<16xi32>
        %ge3A_33 = arith.cmpi sge, %add3A_30, %ge3A_32 : vector<16xi32>
        %convert_element_type3A_34 = arith.extui %ge3A_33 : vector<16xi1> to vector<16xi32>
        %add3A_35 = arith.addi %scan3A_26, %convert_element_type3A_34 : vector<16xi32>
        %sub3A = arith.constant 50 : i32
        %sub3A_36 = vector.broadcast %sub3A : i32 to vector<16xi32>
        %sub3A_37 = arith.subi %add3A_30, %sub3A_36 : vector<16xi32>
        %select_n3A = arith.select %ge3A_33, %sub3A_37, %add3A_30 : vector<16xi1>, vector<16xi32>
        %add3A_38 = arith.constant 16 : i32
        %add3A_39 = vector.broadcast %add3A_38 : i32 to vector<16xi32>
        %add3A_40 = arith.addi %select_n3A, %add3A_39 : vector<16xi32>
        %ge3A_41 = arith.constant 50 : i32
        %ge3A_42 = vector.broadcast %ge3A_41 : i32 to vector<16xi32>
        %ge3A_43 = arith.cmpi sge, %add3A_40, %ge3A_42 : vector<16xi32>
        %convert_element_type3A_44 = arith.extui %ge3A_43 : vector<16xi1> to vector<16xi32>
        %add3A_45 = arith.addi %add3A_35, %convert_element_type3A_44 : vector<16xi32>
        %sub3A_46 = arith.constant 50 : i32
        %sub3A_47 = vector.broadcast %sub3A_46 : i32 to vector<16xi32>
        %sub3A_48 = arith.subi %add3A_40, %sub3A_47 : vector<16xi32>
        %select_n3A_49 = arith.select %ge3A_43, %sub3A_48, %add3A_40 : vector<16xi1>, vector<16xi32>
        %add3A_50 = arith.constant 16 : i32
        %add3A_51 = vector.broadcast %add3A_50 : i32 to vector<16xi32>
        %add3A_52 = arith.addi %select_n3A_49, %add3A_51 : vector<16xi32>
        %ge3A_53 = arith.constant 50 : i32
        %ge3A_54 = vector.broadcast %ge3A_53 : i32 to vector<16xi32>
        %ge3A_55 = arith.cmpi sge, %add3A_52, %ge3A_54 : vector<16xi32>
        %convert_element_type3A_56 = arith.extui %ge3A_55 : vector<16xi1> to vector<16xi32>
        %add3A_57 = arith.addi %add3A_45, %convert_element_type3A_56 : vector<16xi32>
        %sub3A_58 = arith.constant 50 : i32
        %sub3A_59 = vector.broadcast %sub3A_58 : i32 to vector<16xi32>
        %sub3A_60 = arith.subi %add3A_52, %sub3A_59 : vector<16xi32>
        %select_n3A_61 = arith.select %ge3A_55, %sub3A_60, %add3A_52 : vector<16xi1>, vector<16xi32>
        %add3A_62 = arith.constant 16 : i32
        %add3A_63 = vector.broadcast %add3A_62 : i32 to vector<16xi32>
        %add3A_64 = arith.addi %select_n3A_61, %add3A_63 : vector<16xi32>
        %ge3A_65 = arith.constant 50 : i32
        %ge3A_66 = vector.broadcast %ge3A_65 : i32 to vector<16xi32>
        %ge3A_67 = arith.cmpi sge, %add3A_64, %ge3A_66 : vector<16xi32>
        %convert_element_type3A_68 = arith.extui %ge3A_67 : vector<16xi1> to vector<16xi32>
        %add3A_69 = arith.addi %add3A_57, %convert_element_type3A_68 : vector<16xi32>
        %sub3A_70 = arith.constant 50 : i32
        %sub3A_71 = vector.broadcast %sub3A_70 : i32 to vector<16xi32>
        %sub3A_72 = arith.subi %add3A_64, %sub3A_71 : vector<16xi32>
        %select_n3A_73 = arith.select %ge3A_67, %sub3A_72, %add3A_64 : vector<16xi1>, vector<16xi32>
        %gather3A = tpu.vector_load_idx %arg7[%scan3A_26, %scan3A_27] : memref<64x50xi32, #tpu.memory_space<vmem>>[vector<16xi32>, vector<16xi32>], vector<16xi32>,
        %gather3A_74 = tpu.vector_load_idx %arg7[%add3A_35, %select_n3A] : memref<64x50xi32, #tpu.memory_space<vmem>>[vector<16xi32>, vector<16xi32>], vector<16xi32>,
        %gather3A_75 = tpu.vector_load_idx %arg7[%add3A_45, %select_n3A_49] : memref<64x50xi32, #tpu.memory_space<vmem>>[vector<16xi32>, vector<16xi32>], vector<16xi32>,
        %gather3A_76 = tpu.vector_load_idx %arg7[%add3A_57, %select_n3A_61] : memref<64x50xi32, #tpu.memory_space<vmem>>[vector<16xi32>, vector<16xi32>], vector<16xi32>,
        %gather3A_77 = tpu.vector_load_idx %arg6[%gather3A] : memref<102400xf32, #tpu.memory_space<vmem>>[vector<16xi32>], vector<16xf32>,
        %gather3A_78 = tpu.vector_load_idx %arg6[%gather3A_74] : memref<102400xf32, #tpu.memory_space<vmem>>[vector<16xi32>], vector<16xf32>,
        %gather3A_79 = tpu.vector_load_idx %arg6[%gather3A_75] : memref<102400xf32, #tpu.memory_space<vmem>>[vector<16xi32>], vector<16xf32>,
        %gather3A_80 = tpu.vector_load_idx %arg6[%gather3A_76] : memref<102400xf32, #tpu.memory_space<vmem>>[vector<16xi32>], vector<16xf32>,
        tpu.vector_store_idx %arg8[%scan3A_26, %scan3A_27], %gather3A_77 : memref<64x50xf32, #tpu.memory_space<vmem>>[vector<16xi32>, vector<16xi32>], vector<16xf32>,
        tpu.vector_store_idx %arg8[%add3A_35, %select_n3A], %gather3A_78 : memref<64x50xf32, #tpu.memory_space<vmem>>[vector<16xi32>, vector<16xi32>], vector<16xf32>,
        tpu.vector_store_idx %arg8[%add3A_45, %select_n3A_49], %gather3A_79 : memref<64x50xf32, #tpu.memory_space<vmem>>[vector<16xi32>, vector<16xi32>], vector<16xf32>,
        tpu.vector_store_idx %arg8[%add3A_57, %select_n3A_61], %gather3A_80 : memref<64x50xf32, #tpu.memory_space<vmem>>[vector<16xi32>, vector<16xi32>], vector<16xf32>,
        scf.yield %add3A_69, %select_n3A_73 : vector<16xi32>, vector<16xi32>
      }
      %scan3A_24 = arith.constant 50 : i32
      "tpu.region"() ({
        %run_scoped3A = tpu.sem_alloc : memref<!tpu.dma_semaphore, #tpu.memory_space<semaphore_mem>>
        %dma_start3A = arith.constant 0 : i32
        %dma_start3A_25 = tpu.memref_slice %arg5[%add3A_11, %dma_start3A] : memref<8192x50xf32, #tpu.memory_space<hbm>> -> memref<64x50xf32, #tpu.memory_space<hbm>>
        %dma_start3A_26 = arith.constant 0 : i32
        %dma_start3A_27 = tpu.memref_slice %arg5[%add3A_11, %dma_start3A_26] : memref<8192x50xf32, #tpu.memory_space<hbm>> -> memref<64x50xf32, #tpu.memory_space<hbm>>
        tpu.enqueue_dma source(%arg8 : memref<64x50xf32, #tpu.memory_space<vmem>>) target(%dma_start3A_27 : memref<64x50xf32, #tpu.memory_space<hbm>>) target_semaphore(%run_scoped3A : memref<!tpu.dma_semaphore, #tpu.memory_space<semaphore_mem>>)
        %dma_wait3A = arith.constant 0 : i32
        %dma_wait3A_28 = tpu.memref_slice %arg5[%add3A_11, %dma_wait3A] : memref<8192x50xf32, #tpu.memory_space<hbm>> -> memref<64x50xf32, #tpu.memory_space<hbm>>
        %dma_wait3A_29 = arith.constant 0 : i32
        %dma_wait3A_30 = tpu.memref_slice %arg5[%add3A_11, %dma_wait3A_29] : memref<8192x50xf32, #tpu.memory_space<hbm>> -> memref<64x50xf32, #tpu.memory_space<hbm>>
        tpu.wait_dma2 semaphore(%run_scoped3A : memref<!tpu.dma_semaphore, #tpu.memory_space<semaphore_mem>>) src(%arg8 : memref<64x50xf32, #tpu.memory_space<vmem>>) dst(%dma_wait3A_30 : memref<64x50xf32, #tpu.memory_space<hbm>>)
        tpu.yield
      }) : () -> ()
    }
    %scan3A_5 = arith.constant 4 : i32
    return
  }
}

module attributes {stable_mosaic.version = 14 : i64} {
  func.func @_rowmax_body(%arg0: i32, %arg1: memref<25600x64xf32, #tpu.memory_space<vmem>>, %arg2: memref<200x128xf32, #tpu.memory_space<vmem>>) attributes {dimension_semantics = [#tpu.dimension_semantics<arbitrary>], iteration_bounds = array<i64: 4>, scalar_prefetch = 0 : i64, scratch_operands = 0 : i64, tpu.core_type = #tpu.core_type<tc>, window_params = [{transform_indices = @transform_0, window_bounds = array<i64: 25600, 64>}, {transform_indices = @transform_1, window_bounds = array<i64: 200, 128>}]} {
    %get3A = arith.constant 0 : index
    %get3A_0 = arith.constant 0 : index
    %get3A_1 = vector.load %arg1[%get3A, %get3A_0] : memref<25600x64xf32, #tpu.memory_space<vmem>>, vector<25600x64xf32>
    %reduce_max3A = arith.constant dense<0xFF800000> : vector<25600xf32>
    %reduce_max3A_2 = vector.multi_reduction <maximumf>, %get3A_1, %reduce_max3A [1] : vector<25600x64xf32> to vector<25600xf32>
    %reshape3A = vector.shape_cast %reduce_max3A_2 : vector<25600xf32> to vector<200x128xf32>
    %swap3A = arith.constant 0 : index
    %swap3A_3 = arith.constant 0 : index
    %swap3A_4 = vector.load %arg2[%swap3A, %swap3A_3] : memref<200x128xf32, #tpu.memory_space<vmem>>, vector<200x128xf32>
    tpu.vector_store %arg2[%swap3A, %swap3A_3], %reshape3A {strides = array<i32>} : memref<200x128xf32, #tpu.memory_space<vmem>>, vector<200x128xf32>,
    return
  }
  func.func @transform_0(%arg0: i32) -> (i32, i32) {
    %c0_i32 = arith.constant 0 : i32
    %c0_i32_0 = arith.constant 0 : i32
    return %arg0, %c0_i32 : i32, i32
  }
  func.func @transform_1(%arg0: i32) -> (i32, i32) {
    %c0_i32 = arith.constant 0 : i32
    %c0_i32_0 = arith.constant 0 : i32
    return %arg0, %c0_i32 : i32, i32
  }
}

</mosaic_0001>

<sc_bundles>
// kernel: kernel.4.cloned.1.call-start
scs
__scs_entry_jumppad:
0x0: {  	(pc) =	sbr.rel $0x88, $3  }
0x1: {  	(tag) =	ssettag $0x0;
	lr =	simm.s32 $0x1  }
0x2: {  	[smem:$0x3F9D] =	sst lr;
	_ =	strace $0xD0000000  }
0x3: {  	_ = 	snop  }
0x4: {  	_ = 	snop  }
0x5: {  	_ = 	snop  }
0x6: {  	_ = 	snop  }
0x7: {  	_ = 	snop  }
__scs_overlays_trampoline_lowered:
0x8: {  	[smem:$0x3FAC] =	sst s0  }
0x9: {  	[smem:$0x3FAD] =	sst s1  }
0xa: {  	[smem:$0x3FAE] =	sst s2  }
0xb: {  	[smem:$0x3FAF] =	sst s3  }
0xc: {  	[smem:$0x3FB0] =	sst s4  }
0xd: {  	[smem:$0x3FB1] =	sst s5  }
0xe: {  	[smem:$0x3FB2] =	sst s6  }
0xf: {  	[smem:$0x3FB3] =	sst s7  }
0x10: {  	[smem:$0x3FB4] =	sst s8  }
0x11: {  	[smem:$0x3FB5] =	sst s9;
	s0 =	simm.s32 @!p0 $0x0  }
0x12: {  	s1 =	sld [smem:$0x3F9B];
	s0 =	simm.s32 @p0 $0x1  }
0x13: {  	[smem:$0x3FB6] =	sst s0;
	s0 =	simm.s32 @!p1 $0x0  }
0x14: {  	s2 =	sld [smem:$0x3F9A];
	s0 =	simm.s32 @p1 $0x1  }
0x15: {  	[smem:$0x3FB7] =	sst s0;
	s0 =	simm.s32 @!p2 $0x0  }
0x16: {  	s3 =	sld [smem:$0x3FDB];
	s0 =	simm.s32 @p2 $0x1  }
0x17: {  	s4 =	simm.s32 $0x1BF5;
	[smem:$0x3FB9] =	sst s0  }
0x18: {  	s0 =	sld [smem:$0x3F9C];
	_ =	swait.ge [sflag:s4], $0x0  }
0x19: {  	s7 =	sld [smem:$0x3F9D]  }
0x1a: {  	s8 =	sadd.s32 $0xFFFFE003, lr  }
0x1b: {  	s9 =	sadd.s32 $0xFFFFFEF7, lr;
	s5 =	simm.s32 $0xFFFFFFFF;
	p2 =	slt.u32 s8, $0xFFFFF086  }
0x1c: {  	p1 =	slt.u32 s9, $0xF7A;
	s5 =	simm.s32 @!p2 $0x0  }
0x1d: {  	s5 =	simm.s32 @p1 $0x1;
	p0 =	seq.s32 s7, s2  }
0x1e: {  	s7 =	smul.u32 @!p0 $0xF7A, s2;
	p2 =	seq.s32 @!p0 s5, $0x0  }
0x1f: {  	s9 =	smul.u32 $0xF7A, s1;
	s8 =	simm.s32 @!p0 $0x1BF5;
	p2 =	por !p2, p0  }
0x20: {  	[sflag:s8] =	ssyncset.s32 @!p0 $0xFFFFF086;
	s6 =	sadd.s32 @!p0 s3, s7;
	s7 =	simm.s32 @!p0 $0x108  }
0x21: {  	s3 =	sadd.s32 s3, s9;
	s6 =	sadd.s32 @!p0 $0x88, s6;
	s7 =	simm.s32 @p2 $0x1082  }
0x22: {  	[simem:s7], [sflag:s8] =	dma.local @!p0 [hbm:s6], $0xF7A  }
0x23: {  	s9 =	sor.u32 $0xD0000000, s2;
	s6 =	simm.s32 $0x108;
	_ =	swait.ge @!p0 [sflag:s8], $0x0  }
0x24: {  	s3 =	sadd.s32 $0x88, s3;
	s6 =	simm.s32 @!p1 $0x1082;
	[sflag:s4] =	ssyncset.s32 $0xFFFFF086  }
0x25: {  	[simem:s6], [sflag:s4] =	dma.local [hbm:s3], $0xF7A  }
0x26: {  	[smem:$0x3F9D] =	sst s1;
	(tag) =	ssettag s2;
	_ =	strace s9  }
0x27: {  	s1 =	sld [smem:$0x3FAD]  }
0x28: {  	s2 =	sld [smem:$0x3FAE]  }
0x29: {  	s4 =	sld [smem:$0x3FB0]  }
0x2a: {  	p0 =	seq.s32 s5, $0x0;
	s5 =	sld [smem:$0x3FB1]  }
0x2b: {  	s6 =	sld [smem:$0x3FB2]  }
0x2c: {  	s7 =	sld [smem:$0x3FB3]  }
0x2d: {  	s3 =	simm.s32 $0x108;
	s8 =	sld [smem:$0x3FB4]  }
0x2e: {  	s3 =	simm.s32 @!p0 $0x1082;
	s9 =	sld [smem:$0x3FB5]  }
0x2f: {  	lr =	sadd.s32 s0, s3;
	s0 =	sld [smem:$0x3FAC]  }
0x30: {  	s3 =	sld [smem:$0x3FAF]  }
0x31: {  	[smem:$0x3FB8] =	sst s10  }
0x32: {  	s10 =	sld [smem:$0x3FB6];
	_ =	sdelay $0x3  }
0x33: {  	p0 =	seq.s32 s10, $0x1;
	s10 =	sld [smem:$0x3FB8];
	_ =	sdelay $0x3  }
0x34: {  	[smem:$0x3FB8] =	sst s10  }
0x35: {  	s10 =	sld [smem:$0x3FB7];
	_ =	sdelay $0x3  }
0x36: {  	p1 =	seq.s32 s10, $0x1;
	s10 =	sld [smem:$0x3FB8];
	_ =	sdelay $0x3  }
0x37: {  	[smem:$0x3FB8] =	sst s10  }
0x38: {  	s10 =	sld [smem:$0x3FB9]  }
0x39: {  	_ = 	snop;
	(pc) =	sbr.ind lr, $3  }
0x3a: {  	_ = 	snop  }
0x3b: {  	_ = 	snop  }
0x3c: {  	p2 =	seq.s32 s10, $0x1;
	s10 =	sld [smem:$0x3FB8]  }
0x3d: {  	_ =	shalt  }
0x3e: {  	_ =	shalt  }
0x3f: {  	_ =	shalt  }
0x40: {  	_ =	shalt  }
0x41: {  	_ =	shalt  }
0x42: {  	_ =	shalt  }
0x43: {  	_ =	shalt  }
0x44: {  	_ =	shalt  }
0x45: {  	_ =	shalt  }
0x46: {  	_ =	shalt  }
0x47: {  	_ =	shalt  }
0x48: {  	_ =	shalt  }
0x49: {  	_ =	shalt  }
0x4a: {  	_ =	shalt  }
0x4b: {  	_ =	shalt  }
0x4c: {  	_ =	shalt  }
0x4d: {  	_ =	shalt  }
0x4e: {  	_ =	shalt  }
0x4f: {  	_ =	shalt  }
0x50: {  	_ =	shalt  }
0x51: {  	_ =	shalt  }
0x52: {  	_ =	shalt  }
0x53: {  	_ =	shalt  }
0x54: {  	_ =	shalt  }
0x55: {  	_ =	shalt  }
0x56: {  	_ =	shalt  }
0x57: {  	_ =	shalt  }
0x58: {  	_ =	shalt  }
0x59: {  	_ =	shalt  }
0x5a: {  	_ =	shalt  }
0x5b: {  	_ =	shalt  }
0x5c: {  	_ =	shalt  }
0x5d: {  	_ =	shalt  }
0x5e: {  	_ =	shalt  }
0x5f: {  	_ =	shalt  }
0x60: {  	_ =	shalt  }
0x61: {  	_ =	shalt  }
0x62: {  	_ =	shalt  }
0x63: {  	_ =	shalt  }
0x64: {  	_ =	shalt  }
0x65: {  	_ =	shalt  }
0x66: {  	_ =	shalt  }
0x67: {  	_ =	shalt  }
0x68: {  	_ =	shalt  }
0x69: {  	_ =	shalt  }
0x6a: {  	_ =	shalt  }
0x6b: {  	_ =	shalt  }
0x6c: {  	_ =	shalt  }
0x6d: {  	_ =	shalt  }
0x6e: {  	_ =	shalt  }
0x6f: {  	_ =	shalt  }
0x70: {  	_ =	shalt  }
0x71: {  	_ =	shalt  }
0x72: {  	_ =	shalt  }
0x73: {  	_ =	shalt  }
0x74: {  	_ =	shalt  }
0x75: {  	_ =	shalt  }
0x76: {  	_ =	shalt  }
0x77: {  	_ =	shalt  }
0x78: {  	_ =	shalt  }
0x79: {  	_ =	shalt  }
0x7a: {  	_ =	shalt  }
0x7b: {  	_ =	shalt  }
0x7c: {  	_ =	shalt  }
0x7d: {  	_ =	shalt  }
0x7e: {  	_ =	shalt  }
0x7f: {  	_ =	shalt  }
0x80: {  	_ =	shalt  }
0x81: {  	_ =	shalt  }
0x82: {  	_ =	shalt  }
0x83: {  	_ =	shalt  }
0x84: {  	_ =	shalt  }
0x85: {  	_ =	shalt  }
0x86: {  	_ =	shalt  }
0x87: {  	_ =	shalt  }
.Lfunc_end0:
.L_simem_size_0:
called_computation_lowered:
.L_overlay_start_0:
0x88: {  	s2 =	sld [smem:$0x3FD9]  }
0x89: {  	s3 =	sld [smem:$0x3FFE];
	_ =	sdelay $0x1  }
0x8a: {  	s1 =	srdreg.scid  }
0x8b: {  	s0 =	sand.u32 $0x1, s1  }
0x8c: {  	s14 =	sshll.u32 s0, $0xA;
	s2 =	sadd.s32 s3, s2  }
0x8d: {  	s2 =	sadd.s32 s2, s14  }
0x8e: {  	[smem:$0x3FC4] =	sst s2  }
0x8f: {  	_ = 	snop  }
0x90: {  	s2 =	sld [smem:$0x3FD0];
	_ =	sdelay $0x2  }
0x91: {  	s15 =	simm.s32 $0xA;
	s4 =	simm.s32 $0x10  }
0x92: {  	[smem:s4], [sflag:s15] =	dma.local [hbm:s2], $0x1  }
0x93: {  	_ =	swait.eq [sflag:s15], $0x1  }
0x94: {  	[sflag:s15] =	ssyncset.done $0x0  }
0x95: {  	[sflag:s15] =	ssyncadd.s32 $0xFFFFFFFF  }
0x96: {  	s16 =	sld [smem:$0x10];
	(tm) =	ssettm $0x1  }
0x97: {  	s17 =	sld [smem:$0x3FFB];
	_ =	sdelay $0x3  }
0x98: {  	_ =	strace s17  }
0x99: {  	s3 =	sld [smem:$0x3FFC];
	_ =	sdelay $0x3  }
0x9a: {  	_ =	strace s3  }
0x9b: {  	s3 =	sld [smem:$0x3FFD];
	_ =	sdelay $0x3  }
0x9c: {  	_ =	strace s3  }
0x9d: {  	_ =	strace $0x8FFFFFFF  }
0x9e: {  	s18 =	sld [smem:$0x3FDB];
	_ =	sdelay $0x1  }
0x9f: {  	s19 =	simm.s32 $_scs_section_size  }
0xa0: {  	s5 =	simm.s32 $_size__tile_overlayer_lowered;
	s6 =	simm.s32 $_tile_overlayer_lowered  }
0xa1: {  	s22 =	simm.s32 $0x1BFF;
	s21 =	sshll.u32 s6, $0x1;
	s3 =	sadd.s32 s19, s18  }
0xa2: {  	s7 =	simm.s32 $0x0;
	s20 =	sshll.u32 s5, $0x1;
	s5 =	sadd.s32 s21, s3  }
0xa3: {  	[timem:s7], [sflag:s22] =	dma.local [hbm:s5], s20  }
0xa4: {  	_ =	swait.ge [sflag:s22], s20  }
0xa5: {  	s4 =	ssub.s32 $0x0, s20;
	[sflag:s22] =	ssyncset.done $0x0  }
0xa6: {  	[sflag:s22] =	ssyncadd.s32 s4;
	_ =	sdelay $0x1  }
0xa7: {  	s23 =	simm.s32 $0x1B8B  }
0xa8: {  	_ =	swait.ge [sflag:s23], $0x1  }
0xa9: {  	[sflag:s23] =	ssyncset.done $0x0  }
0xaa: {  	s25 =	simm.s32 $0x1B8E;
	s24 =	sld [smem:$0x3FFE];
	[sflag:s23] =	ssyncadd.s32 $0xFFFFFFFF  }
0xab: {  	s26 =	simm.s32 $execute0_lowered;
	[smem:$0x3FD2] =	sst s25  }
0xac: {  	s5 =	sshll.u32 s26, $0x1;
	_ =	strace $0x80000046;
	[dreg:$0x1] =	wrdreg $0xFFFFFFFF  }
0xad: {  	s28 =	simm.s32 $_size_execute0_lowered;
	s3 =	sadd.s32 s3, s5;
	[dreg:$0x0] =	wrdreg $0x0  }
0xae: {  	s5 =	sshll.u32 s28, $0x1;
	[dreg:$0x2] =	wrdreg s3  }
0xaf: {  	[dreg:$0x3] =	wrdreg s5  }
0xb0: {  	[dreg:$0x4] =	wrdreg $0xC0  }
0xb1: {  	_ =	task [dreg:s7], $0x5FFFF  }
0xb2: {  	[dreg:$0x1] =	wrdreg $0xFFFFFFFF  }
0xb3: {  	[dreg:$0x0] =	wrdreg $0x60  }
0xb4: {  	[dreg:$0x2] =	wrdreg s24  }
0xb5: {  	[dreg:$0x3] =	wrdreg s16  }
0xb6: {  	[dreg:$0x4] =	wrdreg $0x9  }
0xb7: {  	_ =	task.clear_ibuf [dreg:s7], $0x5FFFF;
	_ =	strace $0x90000046  }
0xb8: {  	s29 =	simm.s32 $0x9;
	_ =	strace $0x80000048  }
0xb9: {  	_ =	swait.ge [sflag:s29], $0x1  }
0xba: {  	[sflag:s29] =	ssyncadd.s32 $0xFFFFFFFF  }
0xbb: {  	_ =	strace $0x90000048  }
0xbc: {  	_ =	sfence  }
0xbd: {  	s30 =	sld [smem:$0x0];
	_ =	sdelay $0x2  }
0xbe: {  	s31 =	sshll.u32 s1, $0xD;
	s1 =	sshrl.u32 s1, $0x2  }
0xbf: {  	s3 =	sand.u32 $0x4000, s31;
	s1 =	sadd.s32 s1, s30  }
0xc0: {  	s0 =	sor.u32 s3, s0;
	s1 =	sshll.u32 s1, $0x11  }
0xc1: {  	s0 =	sor.u32 s1, s0  }
0xc2: {  	s0 =	sadd.s32 $0x8F2B, s0  }
0xc3: {  	[sflag:s0] =	ssyncadd.remote.s32 $0x1  }
0xc4: {  	_ =	sfence.sel $0xFFFF  }
0xc5: {  	[dreg:$0x0] =	wrdreg $0xFFFFFFFF;
	(pc) =	sbr.abs _section_cstart, $3  }
0xc6: {  	[dreg:$0x1] =	wrdreg $0xFFFFFFFF  }
0xc7: {  	_ =	task.clear_ibuf [dreg:s7], $0x2FFFF;
	_ =	strace $0x9FFFFFFF  }
0xc8: {  	(tm) =	ssettm $0x7FFFFFFF  }
0xc9: {  	_ =	shalt  }
tec
execute0_lowered:
.L_overlay_start_1:
0x0: {  	(tag) =	ssettag $0x1  }
0x1: {  	s6 =	rddreg [dreg:$0x0]  }
0x2: {  	s1 =	rddreg [dreg:$0x1]  }
0x3: {  	s0 =	rddreg [dreg:$0x2];
	s2 =	simm.s32 $0x0  }
0x4: {  	s3 =	srdreg.scid;
	s10 =	simm.s32 $0x19000;
	s11 =	simm.s32 $0x2  }
0x5: {  	s12 =	simm.s32 $0x1B000;
	s13 =	simm.s32 $0x0;
	[smem:$0x7FF] =	sst s2  }
0x6: {  	s7 =	sand.u32 $0x1, s3;
	s4 =	sadd.s32 $0xC00, s6;
	s5 =	sadd.s32 $0x10C00, s6  }
0x7: {  	s3 =	stileid.u32;
	s6 =	sadd.s32 $0x20C00, s6;
	s8 =	ssub.s32 $0x2, s7  }
0x8: {  	_ =	strace $0x80000047;
	s31 =	sshll.u32 s3, $0x9;
	s9 =	sshrl.u32 s8, $0x1  }
0x9: {  	s7 =	sshll.u32 s7, $0x8;
	p0 =	sgt.u32 s3, $0x7;
	s8 =	ssub.s32 s8, s9  }
0xa: {  	v0 =	vimm.s32 $0x0;
	s7 =	sor.u32 s7, s31;
	s9 =	simm.s32 $0x1;
	s8 =	smax.u32 s8, $0x1  }
.LBB2_1:
0xb: {  	[tilespmem:s2], [sflag:$0x1] =	stream.linear.gather [hbm4b:s1+s2], $0x19000, $0x38;
	[tilespmem:$0x1D000] =	vst v63  }
0xc: {  	_ =	swait.ge [sflag:s9], $0x19000  }
0xd: {  	[sflag:s9] =	ssyncset.done $0x0  }
0xe: {  	s14 =	simm.s32 $0x0;
	[sflag:s9] =	ssyncadd.s32 $0xFFFE7000  }
.LBB2_2:
0xf: {  	v4 =	vlaneseq.u32  }
0x10: {  	v1 =	vadd.s32 $0x10, v4  }
0x11: {  	v2 =	vadd.s32 $0xFFFFFFDE, v4;
	vm0 =	vgt.s32 v1, $0x31  }
0x12: {  	v3 =	vimm.s32 $0x0;
	v7 =	vsel vm0, v2, v1;
	v1 =	vand.u32 $0xFFFFFF80, v4  }
0x13: {  	v2 =	vshll.u32 v3, $0x7;
	v6 =	vsel vm0, $0x1, v0;
	v5 =	vadd.s32 $0x10, v7  }
0x14: {  	v8 =	vadd.s32 $0xFFFFFFDE, v7;
	v9 =	vadd.s32 v2, v1;
	vm10 =	vgt.s32 v5, $0x31  }
0x15: {  	v3 =	vadd.s32 v6, v3;
	v1 =	vsel vm10, $0x1, v0;
	v2 =	vsel vm10, v8, v5  }
0x16: {  	v5 =	vand.u32 $0xFFFFFF80, v7;
	v7 =	vand.u32 $0x7F, v7;
	v8 =	vadd.s32 $0x10, v2  }
0x17: {  	v10 =	vand.u32 $0xFFFFFF80, v2;
	v11 =	vand.u32 $0x7F, v2;
	vm11 =	vgt.s32 v8, $0x31  }
0x18: {  	v2 =	vadd.s32 $0xFFFFFFDE, v2;
	v1 =	vadd.s32 v1, v3;
	v6 =	vsel vm11, $0x1, v0  }
0x19: {  	v8 =	vsel vm11, v2, v8;
	v6 =	vadd.s32 v6, v1;
	v1 =	vshll.u32 v1, $0x7  }
0x1a: {  	v2 =	vshll.u32 v3, $0x7;
	v3 =	vand.u32 $0xFFFFFF80, v8;
	v1 =	vadd.s32 v10, v1  }
0x1b: {  	v12 =	vadd.s32 v5, v2;
	v10 =	vshll.u32 v6, $0x7;
	v1 =	vor.u32 v11, v1  }
0x1c: {  	v11 =	vand.u32 $0x7F, v8;
	v3 =	vadd.s32 v3, v10;
	v10 =	vadd.s32 $0x10, v8  }
0x1d: {  	v2 =	vor.u32 v11, v3;
	vm12 =	vgt.s32 v10, $0x31;
	v3 =	vadd.s32 $0xFFFFFFDE, v8  }
0x1e: {  	s15 =	sshll.u32 s14, $0x6;
	v7 =	vor.u32 v7, v12;
	v8 =	vand.u32 $0x7F, v4;
	v3 =	vsel vm12, v3, v10  }
0x1f: {  	s15 =	sadd.s32 s7, s15;
	v5 =	vsel vm12, $0x1, v0;
	v4 =	vadd.s32 $0x10, v3;
	v10 =	vand.u32 $0xFFFFFF80, v3  }
0x20: {  	s16 =	sshll.u32 @p0 s15, $0x7;
	v11 =	vadd.s32 v5, v6;
	v5 =	vadd.s32 $0xFFFFFFDE, v3;
	vm13 =	vgt.s32 v4, $0x31  }
0x21: {  	s16 =	sadd.s32 @p0 $0xFFF80000, s16;
	v6 =	vshll.u32 v11, $0x7;
	v13 =	vsel vm13, $0x1, v0;
	v4 =	vsel vm13, v5, v4  }
0x22: {  	s17 =	sshll.u32 @!p0 s15, $0x4;
	s16 =	sshrl.u32 @p0 s16, $0x3;
	v6 =	vadd.s32 v6, v10;
	v5 =	vor.u32 v8, v9;
	v10 =	vadd.s32 $0x10, v4  }
0x23: {  	s17 =	sadd.s32 @!p0 s4, s17;
	s16 =	sadd.s32 @p0 s5, s16;
	v8 =	vadd.s32 $0xFFFFFFDE, v4;
	v11 =	vadd.s32 v13, v11;
	vm14 =	vgt.s32 v10, $0x31  }
0x24: {  	s17 =	smov.u32 @p0 s16;
	v9 =	vsel vm14, $0x1, v0;
	v8 =	vsel vm14, v8, v10;
	v10 =	vand.u32 $0xFFFFFF80, v4  }
0x25: {  	[tilespmem:s10], [sflag:$0x2] =	stream.linear.gather [hbm4b:s17+s2], $0x2000, $0x38;
	v12 =	vadd.s32 $0x10, v8;
	v15 =	vand.u32 $0xFFFFFF80, v8;
	v16 =	vand.u32 $0x7F, v8;
	[tilespmem:$0x1D000] =	vst v63  }
0x26: {  	_ =	swait.ge [sflag:s11], $0x2000;
	v8 =	vadd.s32 $0xFFFFFFDE, v8;
	v9 =	vadd.s32 v9, v11;
	vm15 =	vgt.s32 v12, $0x31  }
0x27: {  	[sflag:s11] =	ssyncset.done $0x0;
	v13 =	vsel vm15, $0x1, v0;
	v14 =	vsel vm15, v8, v12;
	v8 =	vshll.u32 v9, $0x7  }
0x28: {  	[sflag:s11] =	ssyncadd.s32 $0xFFFFE000;
	v11 =	vshll.u32 v11, $0x7;
	v13 =	vadd.s32 v13, v9;
	v8 =	vadd.s32 v15, v8  }
0x29: {  	v9 =	vand.u32 $0xFFFFFF80, v14;
	v15 =	vld.idx.msk [tilespmem:v5+s10+$0x0], $0xffff;
	v17 =	vand.u32 $0x7F, v14;
	v12 =	vshll.u32 v13, $0x7  }
0x2a: {  	v18 =	vadd.s32 $0x10, v14;
	v8 =	vor.u32 v16, v8;
	v16 =	vld.idx.msk [tilespmem:v7+s10+$0x0], $0xffff;
	v9 =	vadd.s32 v9, v12  }
0x2b: {  	s16 =	simm.s32 $0x30;
	v12 =	vadd.s32 v10, v11;
	v11 =	vmovc v2;
	v10 =	vmov v8;
	v9 =	vor.u32 v17, v9;
	v17 =	vld.idx.msk [tilespmem:v1+s10+$0x0], $0xffff  }
.LBB2_3:
0x2c: {  	p1 =	sne.s32 s16, $0x1;
	s16 =	sadd.s32 $0xFFFFFFFF, s16;
	v19 =	vld.idx.msk [tilespmem:v2+s10+$0x0], $0xffff;
	v2 =	vmov v9;
	_ =	sdelay $0x2  }
0x2d: {  	vm0 =	vgt.s32 v18, $0x31;
	v14 =	vadd.s32 $0xFFFFFFDE, v14  }
0x2e: {  	v21 =	vand.u32 $0x7F, v3;
	v20 =	vsel vm0, $0x1, v0;
	v3 =	vsel vm0, v14, v18  }
0x2f: {  	v14 =	vadd.s32 $0x10, v3;
	v18 =	vand.u32 $0xFFFFFF80, v3;
	v13 =	vadd.s32 v20, v13;
	v15 =	vld.idx.msk [tilespmem:v15+s2+$0x0], $0xffff  }
0x30: {  	v20 =	vadd.s32 $0xFFFFFFDE, v3;
	vm0 =	vgt.s32 v14, $0x31;
	v22 =	vshll.u32 v13, $0x7;
	v16 =	vld.idx.msk [tilespmem:v16+s2+$0x0], $0xffff  }
0x31: {  	v23 =	vsel vm0, $0x1, v0;
	v14 =	vsel vm0, v20, v14;
	v18 =	vadd.s32 v22, v18;
	v17 =	vld.idx.msk [tilespmem:v17+s2+$0x0], $0xffff  }
0x32: {  	v21 =	vor.u32 v21, v6;
	v22 =	vand.u32 $0x7F, v4;
	v20 =	vadd.s32 $0x10, v14;
	v4 =	vmovc v14;
	v6 =	vmovc v18;
	v19 =	vld.idx.msk [tilespmem:v19+s2+$0x0], $0xffff  }
0x33: {  	v12 =	vor.u32 v22, v12;
	vm0 =	vgt.s32 v20, $0x31;
	v14 =	vadd.s32 $0xFFFFFFDE, v4  }
0x34: {  	v18 =	vsel vm0, $0x1, v0;
	v14 =	vsel vm0, v14, v20;
	v20 =	vand.u32 $0xFFFFFF80, v4  }
0x35: {  	v22 =	vadd.s32 $0x10, v14;
	v24 =	vand.u32 $0xFFFFFF80, v14;
	v25 =	vand.u32 $0x7F, v14;
	[tilespmem:v5+s12+$0x0] =	vst.idx.msk $0xffff, v15;
	v5 =	vmovc v21  }
0x36: {  	vm0 =	vgt.s32 v22, $0x31;
	v15 =	vadd.s32 v23, v13;
	v13 =	vadd.s32 $0xFFFFFFDE, v14;
	[tilespmem:v7+s12+$0x0] =	vst.idx.msk $0xffff, v16;
	v7 =	vmovc v12  }
.Ltmp0:
0x37: {  	v16 =	vadd.s32 v18, v15;
	v18 =	vsel vm0, $0x1, v0;
	v14 =	vsel vm0, v13, v22;
	[tilespmem:v1+s12+$0x0] =	vst.idx.msk $0xffff, v17;
	(pc) =	sbr.rel @p1 .LBB2_3-.Ltmp0, $4  }
0x38: {  	v13 =	vadd.s32 v18, v16;
	v17 =	vshll.u32 v15, $0x7;
	v15 =	vshll.u32 v16, $0x7;
	v1 =	vmovc v8;
	[tilespmem:v11+s12+$0x0] =	vst.idx.msk $0xffff, v19  }
0x39: {  	v16 =	vand.u32 $0xFFFFFF80, v14;
	v8 =	vadd.s32 v24, v15;
	v18 =	vshll.u32 v13, $0x7;
	v11 =	vmovc v9;
	v15 =	vld.idx.msk [tilespmem:v21+s10+$0x0], $0xffff  }
0x3a: {  	v9 =	vand.u32 $0x7F, v14;
	v8 =	vor.u32 v25, v8;
	v19 =	vadd.s32 v16, v18;
	v16 =	vld.idx.msk [tilespmem:v12+s10+$0x0], $0xffff  }
0x3b: {  	v18 =	vadd.s32 $0x10, v14;
	v12 =	vadd.s32 v20, v17;
	v9 =	vor.u32 v9, v19;
	v17 =	vld.idx.msk [tilespmem:v10+s10+$0x0], $0xffff;
	v10 =	vmovc v8  }
0x3c: {  	_ =	sdelay $0x3  }
0x3d: {  	v2 =	vld.idx.msk [tilespmem:v2+s10+$0x0], $0xffff;
	_ =	sdelay $0x4  }
0x3e: {  	v13 =	vld.idx.msk [tilespmem:v15+s2+$0x0], $0xffff  }
0x3f: {  	v14 =	vld.idx.msk [tilespmem:v16+s2+$0x0], $0xffff  }
0x40: {  	v62 =	vld.idx.msk [tilespmem:v17+s2+$0x0], $0xffff  }
0x41: {  	v3 =	vand.u32 $0x7F, v3;
	v2 =	vld.idx.msk [tilespmem:v2+s2+$0x0], $0xffff  }
0x42: {  	v4 =	vand.u32 $0x7F, v4;
	v3 =	vor.u32 v3, v6  }
0x43: {  	v4 =	vor.u32 v4, v12;
	[tilespmem:v5+s12+$0x0] =	vst.idx.msk $0xffff, v13  }
0x44: {  	[tilespmem:v7+s12+$0x0] =	vst.idx.msk $0xffff, v14  }
0x45: {  	[tilespmem:v1+s12+$0x0] =	vst.idx.msk $0xffff, v62  }
0x46: {  	[tilespmem:v11+s12+$0x0] =	vst.idx.msk $0xffff, v2  }
0x47: {  	v1 =	vld.idx.msk [tilespmem:v3+s10+$0x0], $0xffff  }
0x48: {  	v2 =	vld.idx.msk [tilespmem:v4+s10+$0x0], $0xffff  }
0x49: {  	v5 =	vld.idx.msk [tilespmem:v10+s10+$0x0], $0xffff  }
0x4a: {  	v63 =	vld.idx.msk [tilespmem:v9+s10+$0x0], $0xffff;
	_ =	sdelay $0x4  }
0x4b: {  	v1 =	vld.idx.msk [tilespmem:v1+s2+$0x0], $0xffff  }
0x4c: {  	v2 =	vld.idx.msk [tilespmem:v2+s2+$0x0], $0xffff  }
0x4d: {  	v5 =	vld.idx.msk [tilespmem:v5+s2+$0x0], $0xffff  }
0x4e: {  	v6 =	vld.idx.msk [tilespmem:v63+s2+$0x0], $0xffff;
	_ =	sdelay $0x1  }
0x4f: {  	[tilespmem:v3+s12+$0x0] =	vst.idx.msk $0xffff, v1  }
0x50: {  	s14 =	sadd.s32 $0x1, s14;
	[tilespmem:v4+s12+$0x0] =	vst.idx.msk $0xffff, v2  }
0x51: {  	s15 =	sshll.u32 s15, $0x4;
	p1 =	sne.s32 s14, $0x4;
	[tilespmem:v8+s12+$0x0] =	vst.idx.msk $0xffff, v5  }
.Ltmp1:
0x52: {  	s15 =	sadd.s32 s6, s15;
	[tilespmem:v9+s12+$0x0] =	vst.idx.msk $0xffff, v6;
	(pc) =	sbr.rel @p1 .LBB2_2-.Ltmp1, $4  }
0x53: {  	[hbm4b:s15+s2] =	stream.linear.scatter [tilespmem:s12], [sflag:$0x2], $0x2000, $0x38;
	[tilespmem:$0x1D000] =	vst v63  }
0x54: {  	_ =	swait.ge [sflag:s11], $0x2000  }
0x55: {  	[sflag:s11] =	ssyncset.done $0x0  }
0x56: {  	[sflag:s11] =	ssyncadd.s32 $0xFFFFE000  }
0x57: {  	s13 =	sadd.s32 $0x1, s13  }
0x58: {  	p1 =	sne.s32 s13, s8  }
.Ltmp2:
0x59: {  	_ = 	snop;
	(pc) =	sbr.rel @p1 .LBB2_1-.Ltmp2, $1  }
0x5a: {  	_ =	sdelay $0x3  }
0x5b: {  	_ =	sfence.sel $0x180000  }
0x5c: {  	[bflag:$0x0] =	sbarrier.arrive $0xFFFF  }
0x5d: {  	p0 =	sne.s32 s3, $0x0;
	_ =	strace $0x90000047  }
0x5e: {  	s0 =	sadd.s32 @!p0 $0x100000, s0;
	[bflag:$0x2] =	sbarrier.arrive $0xFFFF  }
0x5f: {  	[sflag:s0] =	ssyncadd.tile.s32 @!p0 $0x1;
	_ =	shalt  }
.Lfunc_end2:
_tile_overlayer_lowered:
.L_overlay_start_2:
0x60: {  	(tag) =	ssettag $0x2  }
0x61: {  	s0 =	rddreg [dreg:$0x0];
	s2 =	stileid.u32  }
0x62: {  	s1 =	rddreg [dreg:$0x1];
	p0 =	sne.s32 s2, $0x0  }
0x63: {  	s3 =	rddreg [dreg:$0x2];
	[bflag:$0x3] =	sbarrier.arrive $0xFFFF;
	s2 =	simm.s32 @!p0 $0x1C02  }
0x64: {  	[timem:s3], [sflag:s2] =	dma.local @!p0 [hbm:s0], s1  }
0x65: {  	s0 =	simm.s32 @!p0 $0x2  }
0x66: {  	_ =	swait.ge @!p0 [sflag:s0], s1  }
0x67: {  	s1 =	ssub.s32 @!p0 $0x0, s1;
	[sflag:s0] =	ssyncset.done @!p0 $0x0  }
0x68: {  	[sflag:s0] =	ssyncadd.s32 @!p0 s1  }
0x69: {  	[bflag:$0x3] =	sbarrier.arrive $0xFFFF  }
0x6a: {  	_ =	shalt  }

</sc_bundles>
